<compile_context>
chip_gen: v7x
topology: tpu7x:2x2x1
jax: 0.10.2.dev20260603
libtpu: 0.0.44.dev20260713+nightly
codegen_flags: <defaults>
</compile_context>

<pallas_src>
import functools

import jax
import jax.numpy as jnp
from jax import lax
from jax.experimental import pallas as pl
from jax.experimental.pallas import tpu as pltpu
from jax.experimental.pallas import tpu_sc as plsc

NUM_EMB = 100000
D = 128
B = 16384 * 26
NC = 2
NS = 16
NW = NC * NS
BPW = B // NW
CH = 128
NCH = BPW // CH
NBUF = 4

assert B == NW * NCH * CH


def _body(table_hbm, idx_hbm, out_hbm, idx_v, rows_v, gsems, ssem):
    wid = lax.axis_index("s") * NC + lax.axis_index("c")
    base = wid * BPW

    pltpu.sync_copy(idx_hbm.at[pl.ds(wid * NCH, NCH)], idx_v)

    def issue_gather(g, b):
        return pltpu.async_copy(table_hbm.at[idx_v.at[g]], rows_v.at[b], gsems[b])

    def wait_gather(g, b):
        pltpu.make_async_copy(table_hbm.at[idx_v.at[g]], rows_v.at[b], gsems[b]).wait()

    def issue_scatter(g, b):
        pltpu.async_copy(rows_v.at[b], out_hbm.at[pl.ds(base + g * CH, CH)], ssem)

    def wait_scatter_unit():
        pltpu.make_async_copy(rows_v.at[0], out_hbm.at[pl.ds(base, CH)], ssem).wait()

    for h in range(NBUF - 1):
        issue_gather(h, h)

    @pl.loop(0, NCH, step=NBUF)
    def chunk_group(g0):
        for b in range(NBUF):
            g = g0 + b
            wait_gather(g, b)
            issue_scatter(g, b)
            h = g + NBUF - 1
            hb = (b + NBUF - 1) % NBUF

            if b == 0:
                @pl.when(g >= 1)
                def _():
                    wait_scatter_unit()

                @pl.when(h < NCH)
                def _():
                    issue_gather(h, hb)
            else:
                @pl.when(h < NCH)
                def _():
                    wait_scatter_unit()
                    issue_gather(h, hb)

    for _ in range(NBUF - 1):
        wait_scatter_unit()


@jax.jit
def _embedding_gather(w, idx2d):
    mesh = plsc.VectorSubcoreMesh(core_axis_name="c", subcore_axis_name="s")
    f = functools.partial(
        pl.kernel,
        out_type=jax.ShapeDtypeStruct((B, D), jnp.float32),
        mesh=mesh,
        scratch_types=[
            pltpu.VMEM((NCH, CH), jnp.int32),
            pltpu.VMEM((NBUF, CH, D), jnp.float32),
            [pltpu.SemaphoreType.DMA] * NBUF,
            pltpu.SemaphoreType.DMA,
        ],
    )(_body)
    return f(w, idx2d)


def kernel(inp, w):
    idx2d = inp.reshape(NW * NCH, CH).astype(jnp.int32)
    out = _embedding_gather(w, idx2d)
    return out.reshape(inp.shape[0], inp.shape[1], D)

# --- scband reference (transcript-rebuilt; emitter-appended) ---
"""Pipeline reference for scband-embedding-32289564131537 (READ-ONLY COPY).

The authoritative reference and input builder live on the scoring server;
editing this copy changes nothing except your own understanding.
"""

import jax, jax.numpy as jnp
import numpy as np

NUM_EMBEDDINGS = 100000
EMBED_DIM = 128

def setup_inputs(seed: int = 0) -> dict:
    key = jax.random.key(seed)
    k_idx, k_w = jax.random.split(key)
    inp = jax.random.randint(k_idx, (16384, 26), 0, NUM_EMBEDDINGS, dtype=jnp.int64 if jax.config.jax_enable_x64 else jnp.int32)
    w = jax.random.normal(k_w, (NUM_EMBEDDINGS, EMBED_DIM), dtype=jnp.float32)
    return {"inp": inp, "w": w}

def reference(inp, w):
    # Faithful translation of ntorch index_select over the 'numembeddings' dim:
    # gathers rows of the embedding table at the given indices.
    return jnp.take(w, inp, axis=0)

if __name__ == "__main__":
    import jax
    _d = setup_inputs()
    print(jax.jit(kernel)(*tuple(_d.values())))

</pallas_src>

<mosaic_0001>
#map = affine_map<(d0, d1) -> (0, 0)>
module attributes {stable_mosaic.version = 14 : i64} {
  func.func @_body(%arg0: i32, %arg1: i32, %arg2: memref<100000x128xf32, #tpu.memory_space<hbm>>, %arg3: memref<3328x128xi32, #tpu.memory_space<hbm>>, %arg4: memref<425984x128xf32, #tpu.memory_space<hbm>>, %arg5: memref<104x128xi32, #tpu.memory_space<vmem>>, %arg6: memref<4x128x128xf32, #tpu.memory_space<vmem>>, %arg7: memref<!tpu.dma_semaphore, #tpu.memory_space<semaphore_mem>>, %arg8: memref<!tpu.dma_semaphore, #tpu.memory_space<semaphore_mem>>, %arg9: memref<!tpu.dma_semaphore, #tpu.memory_space<semaphore_mem>>, %arg10: memref<!tpu.dma_semaphore, #tpu.memory_space<semaphore_mem>>, %arg11: memref<!tpu.dma_semaphore, #tpu.memory_space<semaphore_mem>>) attributes {dimension_semantics = [#tpu.dimension_semantics<core_parallel>, #tpu.dimension_semantics<subcore_parallel>], iteration_bounds = array<i64: 2, 16>, scalar_prefetch = 0 : i64, scratch_operands = 7 : i64, tpu.core_type = #tpu.core_type<sc_vector_subcore>, window_params = [{transform_indices = #map}, {transform_indices = #map}, {transform_indices = #map}]} {
    %mul3A = arith.constant 2 : i32
    %mul3A_0 = arith.muli %arg1, %mul3A : i32
    %add3A = arith.addi %mul3A_0, %arg0 : i32
    %mul3A_1 = arith.constant 13312 : i32
    %mul3A_2 = arith.muli %add3A, %mul3A_1 : i32
    %mul3A_3 = arith.constant 104 : i32
    %mul3A_4 = arith.muli %add3A, %mul3A_3 : i32
    "tpu.region"() ({
      %run_scoped3A = tpu.sem_alloc : memref<!tpu.dma_semaphore, #tpu.memory_space<semaphore_mem>>
      %dma_start3A_82 = arith.constant 0 : i32
      %dma_start3A_83 = tpu.memref_slice %arg3[%mul3A_4, %dma_start3A_82] : memref<3328x128xi32, #tpu.memory_space<hbm>> -> memref<104x128xi32, #tpu.memory_space<hbm>>
      %dma_start3A_84 = arith.constant 0 : i32
      %dma_start3A_85 = tpu.memref_slice %arg3[%mul3A_4, %dma_start3A_84] : memref<3328x128xi32, #tpu.memory_space<hbm>> -> memref<104x128xi32, #tpu.memory_space<hbm>>
      tpu.enqueue_dma source(%dma_start3A_85 : memref<104x128xi32, #tpu.memory_space<hbm>>) target(%arg5 : memref<104x128xi32, #tpu.memory_space<vmem>>) target_semaphore(%run_scoped3A : memref<!tpu.dma_semaphore, #tpu.memory_space<semaphore_mem>>)
      %dma_wait3A_86 = arith.constant 0 : i32
      %dma_wait3A_87 = tpu.memref_slice %arg3[%mul3A_4, %dma_wait3A_86] : memref<3328x128xi32, #tpu.memory_space<hbm>> -> memref<104x128xi32, #tpu.memory_space<hbm>>
      %dma_wait3A_88 = arith.constant 0 : i32
      %dma_wait3A_89 = tpu.memref_slice %arg3[%mul3A_4, %dma_wait3A_88] : memref<3328x128xi32, #tpu.memory_space<hbm>> -> memref<104x128xi32, #tpu.memory_space<hbm>>
      tpu.wait_dma2 semaphore(%run_scoped3A : memref<!tpu.dma_semaphore, #tpu.memory_space<semaphore_mem>>) src(%dma_wait3A_89 : memref<104x128xi32, #tpu.memory_space<hbm>>) dst(%arg5 : memref<104x128xi32, #tpu.memory_space<vmem>>)
      tpu.yield
    }) : () -> ()
    %dma_start3A = arith.constant 0 : i32
    %dma_start3A_5 = arith.constant 0 : i32
    %dma_start3A_6 = arith.constant 0 : i32
    %dma_start3A_7 = arith.constant 0 : i32
    %dma_start3A_8 = tpu.memref_slice %arg6[%dma_start3A_5, %dma_start3A_6, %dma_start3A_7] : memref<4x128x128xf32, #tpu.memory_space<vmem>> -> memref<1x128x128xf32, #tpu.memory_space<vmem>>
    %dma_start3A_9 = tpu.memref_squeeze %dma_start3A_8 : memref<1x128x128xf32, #tpu.memory_space<vmem>> -> memref<128x128xf32, #tpu.memory_space<vmem>>
    %dma_start3A_10 = arith.constant 0 : i32
    %dma_start3A_11 = tpu.memref_slice %arg5[%dma_start3A, %dma_start3A_10] : memref<104x128xi32, #tpu.memory_space<vmem>> -> memref<1x128xi32, #tpu.memory_space<vmem>>
    %dma_start3A_12 = tpu.memref_squeeze %dma_start3A_11 : memref<1x128xi32, #tpu.memory_space<vmem>> -> memref<128xi32, #tpu.memory_space<vmem>>
    %dma_start3A_13 = arith.constant 0 : i32
    %dma_start3A_14 = arith.constant 0 : i32
    %dma_start3A_15 = tpu.memref_slice %arg2[%dma_start3A_13, %dma_start3A_14] : memref<100000x128xf32, #tpu.memory_space<hbm>> -> memref<100000x128xf32, #tpu.memory_space<hbm>>
    tpu.enqueue_indirect_dma source(%dma_start3A_15 : memref<100000x128xf32, #tpu.memory_space<hbm>>) target(%dma_start3A_9 : memref<128x128xf32, #tpu.memory_space<vmem>>) offsets(%dma_start3A_12 : memref<128xi32, #tpu.memory_space<vmem>>) semaphore(%arg7 : memref<!tpu.dma_semaphore, #tpu.memory_space<semaphore_mem>>)
    %dma_start3A_16 = arith.constant 1 : i32
    %dma_start3A_17 = arith.constant 1 : i32
    %dma_start3A_18 = arith.constant 0 : i32
    %dma_start3A_19 = arith.constant 0 : i32
    %dma_start3A_20 = tpu.memref_slice %arg6[%dma_start3A_17, %dma_start3A_18, %dma_start3A_19] : memref<4x128x128xf32, #tpu.memory_space<vmem>> -> memref<1x128x128xf32, #tpu.memory_space<vmem>>
    %dma_start3A_21 = tpu.memref_squeeze %dma_start3A_20 : memref<1x128x128xf32, #tpu.memory_space<vmem>> -> memref<128x128xf32, #tpu.memory_space<vmem>>
    %dma_start3A_22 = arith.constant 0 : i32
    %dma_start3A_23 = tpu.memref_slice %arg5[%dma_start3A_16, %dma_start3A_22] : memref<104x128xi32, #tpu.memory_space<vmem>> -> memref<1x128xi32, #tpu.memory_space<vmem>>
    %dma_start3A_24 = tpu.memref_squeeze %dma_start3A_23 : memref<1x128xi32, #tpu.memory_space<vmem>> -> memref<128xi32, #tpu.memory_space<vmem>>
    %dma_start3A_25 = arith.constant 0 : i32
    %dma_start3A_26 = arith.constant 0 : i32
    %dma_start3A_27 = tpu.memref_slice %arg2[%dma_start3A_25, %dma_start3A_26] : memref<100000x128xf32, #tpu.memory_space<hbm>> -> memref<100000x128xf32, #tpu.memory_space<hbm>>
    tpu.enqueue_indirect_dma source(%dma_start3A_27 : memref<100000x128xf32, #tpu.memory_space<hbm>>) target(%dma_start3A_21 : memref<128x128xf32, #tpu.memory_space<vmem>>) offsets(%dma_start3A_24 : memref<128xi32, #tpu.memory_space<vmem>>) semaphore(%arg8 : memref<!tpu.dma_semaphore, #tpu.memory_space<semaphore_mem>>)
    %dma_start3A_28 = arith.constant 2 : i32
    %dma_start3A_29 = arith.constant 2 : i32
    %dma_start3A_30 = arith.constant 0 : i32
    %dma_start3A_31 = arith.constant 0 : i32
    %dma_start3A_32 = tpu.memref_slice %arg6[%dma_start3A_29, %dma_start3A_30, %dma_start3A_31] : memref<4x128x128xf32, #tpu.memory_space<vmem>> -> memref<1x128x128xf32, #tpu.memory_space<vmem>>
    %dma_start3A_33 = tpu.memref_squeeze %dma_start3A_32 : memref<1x128x128xf32, #tpu.memory_space<vmem>> -> memref<128x128xf32, #tpu.memory_space<vmem>>
    %dma_start3A_34 = arith.constant 0 : i32
    %dma_start3A_35 = tpu.memref_slice %arg5[%dma_start3A_28, %dma_start3A_34] : memref<104x128xi32, #tpu.memory_space<vmem>> -> memref<1x128xi32, #tpu.memory_space<vmem>>
    %dma_start3A_36 = tpu.memref_squeeze %dma_start3A_35 : memref<1x128xi32, #tpu.memory_space<vmem>> -> memref<128xi32, #tpu.memory_space<vmem>>
    %dma_start3A_37 = arith.constant 0 : i32
    %dma_start3A_38 = arith.constant 0 : i32
    %dma_start3A_39 = tpu.memref_slice %arg2[%dma_start3A_37, %dma_start3A_38] : memref<100000x128xf32, #tpu.memory_space<hbm>> -> memref<100000x128xf32, #tpu.memory_space<hbm>>
    tpu.enqueue_indirect_dma source(%dma_start3A_39 : memref<100000x128xf32, #tpu.memory_space<hbm>>) target(%dma_start3A_33 : memref<128x128xf32, #tpu.memory_space<vmem>>) offsets(%dma_start3A_36 : memref<128xi32, #tpu.memory_space<vmem>>) semaphore(%arg9 : memref<!tpu.dma_semaphore, #tpu.memory_space<semaphore_mem>>)
    %scan3A = arith.constant 0 : i32
    %scan3A_40 = arith.constant 26 : i32
    %scan3A_41 = arith.addi %scan3A, %scan3A_40 : i32
    %scan3A_42 = arith.constant 1 : i32
    scf.for %scan3A_82 = %scan3A to %scan3A_41 step %scan3A_42  : i32 {
      %mul3A_83 = arith.constant 4 : i32
      %mul3A_84 = arith.muli %scan3A_82, %mul3A_83 : i32
      %add3A_85 = arith.constant 0 : i32
      %add3A_86 = arith.addi %add3A_85, %mul3A_84 : i32
      %add3A_87 = arith.constant 0 : i32
      %add3A_88 = arith.addi %add3A_86, %add3A_87 : i32
      %dma_wait3A_89 = arith.constant 0 : i32
      %dma_wait3A_90 = arith.constant 0 : i32
      %dma_wait3A_91 = arith.constant 0 : i32
      %dma_wait3A_92 = tpu.memref_slice %arg6[%dma_wait3A_89, %dma_wait3A_90, %dma_wait3A_91] : memref<4x128x128xf32, #tpu.memory_space<vmem>> -> memref<1x128x128xf32, #tpu.memory_space<vmem>>
      %dma_wait3A_93 = tpu.memref_squeeze %dma_wait3A_92 : memref<1x128x128xf32, #tpu.memory_space<vmem>> -> memref<128x128xf32, #tpu.memory_space<vmem>>
      %dma_wait3A_94 = arith.constant 0 : i32
      %dma_wait3A_95 = tpu.memref_slice %arg5[%add3A_88, %dma_wait3A_94] : memref<104x128xi32, #tpu.memory_space<vmem>> -> memref<1x128xi32, #tpu.memory_space<vmem>>
      %dma_wait3A_96 = tpu.memref_squeeze %dma_wait3A_95 : memref<1x128xi32, #tpu.memory_space<vmem>> -> memref<128xi32, #tpu.memory_space<vmem>>
      %dma_wait3A_97 = arith.constant 0 : i32
      %dma_wait3A_98 = arith.constant 0 : i32
      %dma_wait3A_99 = tpu.memref_slice %arg2[%dma_wait3A_97, %dma_wait3A_98] : memref<100000x128xf32, #tpu.memory_space<hbm>> -> memref<100000x128xf32, #tpu.memory_space<hbm>>
      tpu.wait_indirect_dma semaphore(%arg7 : memref<!tpu.dma_semaphore, #tpu.memory_space<semaphore_mem>>) src(%dma_wait3A_99 : memref<100000x128xf32, #tpu.memory_space<hbm>>) dst(%dma_wait3A_93 : memref<128x128xf32, #tpu.memory_space<vmem>>)
      %mul3A_100 = arith.constant 128 : i32
      %mul3A_101 = arith.muli %add3A_88, %mul3A_100 : i32
      %add3A_102 = arith.addi %mul3A_2, %mul3A_101 : i32
      %dma_start3A_103 = arith.constant 0 : i32
      %dma_start3A_104 = arith.constant 0 : i32
      %dma_start3A_105 = arith.constant 0 : i32
      %dma_start3A_106 = tpu.memref_slice %arg6[%dma_start3A_103, %dma_start3A_104, %dma_start3A_105] : memref<4x128x128xf32, #tpu.memory_space<vmem>> -> memref<1x128x128xf32, #tpu.memory_space<vmem>>
      %dma_start3A_107 = tpu.memref_squeeze %dma_start3A_106 : memref<1x128x128xf32, #tpu.memory_space<vmem>> -> memref<128x128xf32, #tpu.memory_space<vmem>>
      %dma_start3A_108 = arith.constant 0 : i32
      %dma_start3A_109 = tpu.memref_slice %arg4[%add3A_102, %dma_start3A_108] : memref<425984x128xf32, #tpu.memory_space<hbm>> -> memref<128x128xf32, #tpu.memory_space<hbm>>
      %dma_start3A_110 = arith.constant 0 : i32
      %dma_start3A_111 = tpu.memref_slice %arg4[%add3A_102, %dma_start3A_110] : memref<425984x128xf32, #tpu.memory_space<hbm>> -> memref<128x128xf32, #tpu.memory_space<hbm>>
      %dma_start3A_112 = arith.constant 0 : i32
      %dma_start3A_113 = arith.constant 0 : i32
      %dma_start3A_114 = tpu.memref_slice %arg6[%dma_start3A_103, %dma_start3A_112, %dma_start3A_113] : memref<4x128x128xf32, #tpu.memory_space<vmem>> -> memref<1x128x128xf32, #tpu.memory_space<vmem>>
      %dma_start3A_115 = tpu.memref_squeeze %dma_start3A_114 : memref<1x128x128xf32, #tpu.memory_space<vmem>> -> memref<128x128xf32, #tpu.memory_space<vmem>>
      tpu.enqueue_dma source(%dma_start3A_115 : memref<128x128xf32, #tpu.memory_space<vmem>>) target(%dma_start3A_111 : memref<128x128xf32, #tpu.memory_space<hbm>>) target_semaphore(%arg11 : memref<!tpu.dma_semaphore, #tpu.memory_space<semaphore_mem>>)
      %add3A_116 = arith.constant 4 : i32
      %add3A_117 = arith.addi %add3A_88, %add3A_116 : i32
      %sub3A = arith.constant 1 : i32
      %sub3A_118 = arith.subi %add3A_117, %sub3A : i32
      %ge3A = arith.constant 1 : i32
      %ge3A_119 = arith.cmpi sge, %add3A_88, %ge3A : i32
      %convert_element_type3A = arith.extui %ge3A_119 : i1 to i32
      %cond3A = arith.constant 0 : i32
      %cond3A_120 = arith.cmpi ne, %convert_element_type3A, %cond3A : i32
      scf.if %cond3A_120 {
        %dma_wait3A_239 = arith.constant 0 : i32
        %dma_wait3A_240 = arith.constant 0 : i32
        %dma_wait3A_241 = arith.constant 0 : i32
        %dma_wait3A_242 = tpu.memref_slice %arg6[%dma_wait3A_239, %dma_wait3A_240, %dma_wait3A_241] : memref<4x128x128xf32, #tpu.memory_space<vmem>> -> memref<1x128x128xf32, #tpu.memory_space<vmem>>
        %dma_wait3A_243 = tpu.memref_squeeze %dma_wait3A_242 : memref<1x128x128xf32, #tpu.memory_space<vmem>> -> memref<128x128xf32, #tpu.memory_space<vmem>>
        %dma_wait3A_244 = arith.constant 0 : i32
        %dma_wait3A_245 = tpu.memref_slice %arg4[%mul3A_2, %dma_wait3A_244] : memref<425984x128xf32, #tpu.memory_space<hbm>> -> memref<128x128xf32, #tpu.memory_space<hbm>>
        %dma_wait3A_246 = arith.constant 0 : i32
        %dma_wait3A_247 = tpu.memref_slice %arg4[%mul3A_2, %dma_wait3A_246] : memref<425984x128xf32, #tpu.memory_space<hbm>> -> memref<128x128xf32, #tpu.memory_space<hbm>>
        %dma_wait3A_248 = arith.constant 0 : i32
        %dma_wait3A_249 = arith.constant 0 : i32
        %dma_wait3A_250 = tpu.memref_slice %arg6[%dma_wait3A_239, %dma_wait3A_248, %dma_wait3A_249] : memref<4x128x128xf32, #tpu.memory_space<vmem>> -> memref<1x128x128xf32, #tpu.memory_space<vmem>>
        %dma_wait3A_251 = tpu.memref_squeeze %dma_wait3A_250 : memref<1x128x128xf32, #tpu.memory_space<vmem>> -> memref<128x128xf32, #tpu.memory_space<vmem>>
        tpu.wait_dma2 semaphore(%arg11 : memref<!tpu.dma_semaphore, #tpu.memory_space<semaphore_mem>>) src(%dma_wait3A_251 : memref<128x128xf32, #tpu.memory_space<vmem>>) dst(%dma_wait3A_247 : memref<128x128xf32, #tpu.memory_space<hbm>>)
      } else {
      }
      %lt3A = arith.constant 104 : i32
      %lt3A_121 = arith.cmpi slt, %sub3A_118, %lt3A : i32
      %convert_element_type3A_122 = arith.extui %lt3A_121 : i1 to i32
      %cond3A_123 = arith.constant 0 : i32
      %cond3A_124 = arith.cmpi ne, %convert_element_type3A_122, %cond3A_123 : i32
      scf.if %cond3A_124 {
        %dma_start3A_239 = arith.constant 3 : i32
        %dma_start3A_240 = arith.constant 0 : i32
        %dma_start3A_241 = arith.constant 0 : i32
        %dma_start3A_242 = tpu.memref_slice %arg6[%dma_start3A_239, %dma_start3A_240, %dma_start3A_241] : memref<4x128x128xf32, #tpu.memory_space<vmem>> -> memref<1x128x128xf32, #tpu.memory_space<vmem>>
        %dma_start3A_243 = tpu.memref_squeeze %dma_start3A_242 : memref<1x128x128xf32, #tpu.memory_space<vmem>> -> memref<128x128xf32, #tpu.memory_space<vmem>>
        %dma_start3A_244 = arith.constant 0 : i32
        %dma_start3A_245 = tpu.memref_slice %arg5[%sub3A_118, %dma_start3A_244] : memref<104x128xi32, #tpu.memory_space<vmem>> -> memref<1x128xi32, #tpu.memory_space<vmem>>
        %dma_start3A_246 = tpu.memref_squeeze %dma_start3A_245 : memref<1x128xi32, #tpu.memory_space<vmem>> -> memref<128xi32, #tpu.memory_space<vmem>>
        %dma_start3A_247 = arith.constant 0 : i32
        %dma_start3A_248 = arith.constant 0 : i32
        %dma_start3A_249 = tpu.memref_slice %arg2[%dma_start3A_247, %dma_start3A_248] : memref<100000x128xf32, #tpu.memory_space<hbm>> -> memref<100000x128xf32, #tpu.memory_space<hbm>>
        tpu.enqueue_indirect_dma source(%dma_start3A_249 : memref<100000x128xf32, #tpu.memory_space<hbm>>) target(%dma_start3A_243 : memref<128x128xf32, #tpu.memory_space<vmem>>) offsets(%dma_start3A_246 : memref<128xi32, #tpu.memory_space<vmem>>) semaphore(%arg10 : memref<!tpu.dma_semaphore, #tpu.memory_space<semaphore_mem>>)
      } else {
      }
      %add3A_125 = arith.constant 1 : i32
      %add3A_126 = arith.addi %add3A_86, %add3A_125 : i32
      %dma_wait3A_127 = arith.constant 1 : i32
      %dma_wait3A_128 = arith.constant 0 : i32
      %dma_wait3A_129 = arith.constant 0 : i32
      %dma_wait3A_130 = tpu.memref_slice %arg6[%dma_wait3A_127, %dma_wait3A_128, %dma_wait3A_129] : memref<4x128x128xf32, #tpu.memory_space<vmem>> -> memref<1x128x128xf32, #tpu.memory_space<vmem>>
      %dma_wait3A_131 = tpu.memref_squeeze %dma_wait3A_130 : memref<1x128x128xf32, #tpu.memory_space<vmem>> -> memref<128x128xf32, #tpu.memory_space<vmem>>
      %dma_wait3A_132 = arith.constant 0 : i32
      %dma_wait3A_133 = tpu.memref_slice %arg5[%add3A_126, %dma_wait3A_132] : memref<104x128xi32, #tpu.memory_space<vmem>> -> memref<1x128xi32, #tpu.memory_space<vmem>>
      %dma_wait3A_134 = tpu.memref_squeeze %dma_wait3A_133 : memref<1x128xi32, #tpu.memory_space<vmem>> -> memref<128xi32, #tpu.memory_space<vmem>>
      %dma_wait3A_135 = arith.constant 0 : i32
      %dma_wait3A_136 = arith.constant 0 : i32
      %dma_wait3A_137 = tpu.memref_slice %arg2[%dma_wait3A_135, %dma_wait3A_136] : memref<100000x128xf32, #tpu.memory_space<hbm>> -> memref<100000x128xf32, #tpu.memory_space<hbm>>
      tpu.wait_indirect_dma semaphore(%arg8 : memref<!tpu.dma_semaphore, #tpu.memory_space<semaphore_mem>>) src(%dma_wait3A_137 : memref<100000x128xf32, #tpu.memory_space<hbm>>) dst(%dma_wait3A_131 : memref<128x128xf32, #tpu.memory_space<vmem>>)
      %mul3A_138 = arith.constant 128 : i32
      %mul3A_139 = arith.muli %add3A_126, %mul3A_138 : i32
      %add3A_140 = arith.addi %mul3A_2, %mul3A_139 : i32
      %dma_start3A_141 = arith.constant 1 : i32
      %dma_start3A_142 = arith.constant 0 : i32
      %dma_start3A_143 = arith.constant 0 : i32
      %dma_start3A_144 = tpu.memref_slice %arg6[%dma_start3A_141, %dma_start3A_142, %dma_start3A_143] : memref<4x128x128xf32, #tpu.memory_space<vmem>> -> memref<1x128x128xf32, #tpu.memory_space<vmem>>
      %dma_start3A_145 = tpu.memref_squeeze %dma_start3A_144 : memref<1x128x128xf32, #tpu.memory_space<vmem>> -> memref<128x128xf32, #tpu.memory_space<vmem>>
      %dma_start3A_146 = arith.constant 0 : i32
      %dma_start3A_147 = tpu.memref_slice %arg4[%add3A_140, %dma_start3A_146] : memref<425984x128xf32, #tpu.memory_space<hbm>> -> memref<128x128xf32, #tpu.memory_space<hbm>>
      %dma_start3A_148 = arith.constant 0 : i32
      %dma_start3A_149 = tpu.memref_slice %arg4[%add3A_140, %dma_start3A_148] : memref<425984x128xf32, #tpu.memory_space<hbm>> -> memref<128x128xf32, #tpu.memory_space<hbm>>
      %dma_start3A_150 = arith.constant 0 : i32
      %dma_start3A_151 = arith.constant 0 : i32
      %dma_start3A_152 = tpu.memref_slice %arg6[%dma_start3A_141, %dma_start3A_150, %dma_start3A_151] : memref<4x128x128xf32, #tpu.memory_space<vmem>> -> memref<1x128x128xf32, #tpu.memory_space<vmem>>
      %dma_start3A_153 = tpu.memref_squeeze %dma_start3A_152 : memref<1x128x128xf32, #tpu.memory_space<vmem>> -> memref<128x128xf32, #tpu.memory_space<vmem>>
      tpu.enqueue_dma source(%dma_start3A_153 : memref<128x128xf32, #tpu.memory_space<vmem>>) target(%dma_start3A_149 : memref<128x128xf32, #tpu.memory_space<hbm>>) target_semaphore(%arg11 : memref<!tpu.dma_semaphore, #tpu.memory_space<semaphore_mem>>)
      %add3A_154 = arith.constant 4 : i32
      %add3A_155 = arith.addi %add3A_126, %add3A_154 : i32
      %sub3A_156 = arith.constant 1 : i32
      %sub3A_157 = arith.subi %add3A_155, %sub3A_156 : i32
      %lt3A_158 = arith.constant 104 : i32
      %lt3A_159 = arith.cmpi slt, %sub3A_157, %lt3A_158 : i32
      %convert_element_type3A_160 = arith.extui %lt3A_159 : i1 to i32
      %cond3A_161 = arith.constant 0 : i32
      %cond3A_162 = arith.cmpi ne, %convert_element_type3A_160, %cond3A_161 : i32
      scf.if %cond3A_162 {
        %dma_wait3A_239 = arith.constant 0 : i32
        %dma_wait3A_240 = arith.constant 0 : i32
        %dma_wait3A_241 = arith.constant 0 : i32
        %dma_wait3A_242 = tpu.memref_slice %arg6[%dma_wait3A_239, %dma_wait3A_240, %dma_wait3A_241] : memref<4x128x128xf32, #tpu.memory_space<vmem>> -> memref<1x128x128xf32, #tpu.memory_space<vmem>>
        %dma_wait3A_243 = tpu.memref_squeeze %dma_wait3A_242 : memref<1x128x128xf32, #tpu.memory_space<vmem>> -> memref<128x128xf32, #tpu.memory_space<vmem>>
        %dma_wait3A_244 = arith.constant 0 : i32
        %dma_wait3A_245 = tpu.memref_slice %arg4[%mul3A_2, %dma_wait3A_244] : memref<425984x128xf32, #tpu.memory_space<hbm>> -> memref<128x128xf32, #tpu.memory_space<hbm>>
        %dma_wait3A_246 = arith.constant 0 : i32
        %dma_wait3A_247 = tpu.memref_slice %arg4[%mul3A_2, %dma_wait3A_246] : memref<425984x128xf32, #tpu.memory_space<hbm>> -> memref<128x128xf32, #tpu.memory_space<hbm>>
        %dma_wait3A_248 = arith.constant 0 : i32
        %dma_wait3A_249 = arith.constant 0 : i32
        %dma_wait3A_250 = tpu.memref_slice %arg6[%dma_wait3A_239, %dma_wait3A_248, %dma_wait3A_249] : memref<4x128x128xf32, #tpu.memory_space<vmem>> -> memref<1x128x128xf32, #tpu.memory_space<vmem>>
        %dma_wait3A_251 = tpu.memref_squeeze %dma_wait3A_250 : memref<1x128x128xf32, #tpu.memory_space<vmem>> -> memref<128x128xf32, #tpu.memory_space<vmem>>
        tpu.wait_dma2 semaphore(%arg11 : memref<!tpu.dma_semaphore, #tpu.memory_space<semaphore_mem>>) src(%dma_wait3A_251 : memref<128x128xf32, #tpu.memory_space<vmem>>) dst(%dma_wait3A_247 : memref<128x128xf32, #tpu.memory_space<hbm>>)
        %dma_start3A_252 = arith.constant 0 : i32
        %dma_start3A_253 = arith.constant 0 : i32
        %dma_start3A_254 = arith.constant 0 : i32
        %dma_start3A_255 = tpu.memref_slice %arg6[%dma_start3A_252, %dma_start3A_253, %dma_start3A_254] : memref<4x128x128xf32, #tpu.memory_space<vmem>> -> memref<1x128x128xf32, #tpu.memory_space<vmem>>
        %dma_start3A_256 = tpu.memref_squeeze %dma_start3A_255 : memref<1x128x128xf32, #tpu.memory_space<vmem>> -> memref<128x128xf32, #tpu.memory_space<vmem>>
        %dma_start3A_257 = arith.constant 0 : i32
        %dma_start3A_258 = tpu.memref_slice %arg5[%sub3A_157, %dma_start3A_257] : memref<104x128xi32, #tpu.memory_space<vmem>> -> memref<1x128xi32, #tpu.memory_space<vmem>>
        %dma_start3A_259 = tpu.memref_squeeze %dma_start3A_258 : memref<1x128xi32, #tpu.memory_space<vmem>> -> memref<128xi32, #tpu.memory_space<vmem>>
        %dma_start3A_260 = arith.constant 0 : i32
        %dma_start3A_261 = arith.constant 0 : i32
        %dma_start3A_262 = tpu.memref_slice %arg2[%dma_start3A_260, %dma_start3A_261] : memref<100000x128xf32, #tpu.memory_space<hbm>> -> memref<100000x128xf32, #tpu.memory_space<hbm>>
        tpu.enqueue_indirect_dma source(%dma_start3A_262 : memref<100000x128xf32, #tpu.memory_space<hbm>>) target(%dma_start3A_256 : memref<128x128xf32, #tpu.memory_space<vmem>>) offsets(%dma_start3A_259 : memref<128xi32, #tpu.memory_space<vmem>>) semaphore(%arg7 : memref<!tpu.dma_semaphore, #tpu.memory_space<semaphore_mem>>)
      } else {
      }
      %add3A_163 = arith.constant 2 : i32
      %add3A_164 = arith.addi %add3A_86, %add3A_163 : i32
      %dma_wait3A_165 = arith.constant 2 : i32
      %dma_wait3A_166 = arith.constant 0 : i32
      %dma_wait3A_167 = arith.constant 0 : i32
      %dma_wait3A_168 = tpu.memref_slice %arg6[%dma_wait3A_165, %dma_wait3A_166, %dma_wait3A_167] : memref<4x128x128xf32, #tpu.memory_space<vmem>> -> memref<1x128x128xf32, #tpu.memory_space<vmem>>
      %dma_wait3A_169 = tpu.memref_squeeze %dma_wait3A_168 : memref<1x128x128xf32, #tpu.memory_space<vmem>> -> memref<128x128xf32, #tpu.memory_space<vmem>>
      %dma_wait3A_170 = arith.constant 0 : i32
      %dma_wait3A_171 = tpu.memref_slice %arg5[%add3A_164, %dma_wait3A_170] : memref<104x128xi32, #tpu.memory_space<vmem>> -> memref<1x128xi32, #tpu.memory_space<vmem>>
      %dma_wait3A_172 = tpu.memref_squeeze %dma_wait3A_171 : memref<1x128xi32, #tpu.memory_space<vmem>> -> memref<128xi32, #tpu.memory_space<vmem>>
      %dma_wait3A_173 = arith.constant 0 : i32
      %dma_wait3A_174 = arith.constant 0 : i32
      %dma_wait3A_175 = tpu.memref_slice %arg2[%dma_wait3A_173, %dma_wait3A_174] : memref<100000x128xf32, #tpu.memory_space<hbm>> -> memref<100000x128xf32, #tpu.memory_space<hbm>>
      tpu.wait_indirect_dma semaphore(%arg9 : memref<!tpu.dma_semaphore, #tpu.memory_space<semaphore_mem>>) src(%dma_wait3A_175 : memref<100000x128xf32, #tpu.memory_space<hbm>>) dst(%dma_wait3A_169 : memref<128x128xf32, #tpu.memory_space<vmem>>)
      %mul3A_176 = arith.constant 128 : i32
      %mul3A_177 = arith.muli %add3A_164, %mul3A_176 : i32
      %add3A_178 = arith.addi %mul3A_2, %mul3A_177 : i32
      %dma_start3A_179 = arith.constant 2 : i32
      %dma_start3A_180 = arith.constant 0 : i32
      %dma_start3A_181 = arith.constant 0 : i32
      %dma_start3A_182 = tpu.memref_slice %arg6[%dma_start3A_179, %dma_start3A_180, %dma_start3A_181] : memref<4x128x128xf32, #tpu.memory_space<vmem>> -> memref<1x128x128xf32, #tpu.memory_space<vmem>>
      %dma_start3A_183 = tpu.memref_squeeze %dma_start3A_182 : memref<1x128x128xf32, #tpu.memory_space<vmem>> -> memref<128x128xf32, #tpu.memory_space<vmem>>
      %dma_start3A_184 = arith.constant 0 : i32
      %dma_start3A_185 = tpu.memref_slice %arg4[%add3A_178, %dma_start3A_184] : memref<425984x128xf32, #tpu.memory_space<hbm>> -> memref<128x128xf32, #tpu.memory_space<hbm>>
      %dma_start3A_186 = arith.constant 0 : i32
      %dma_start3A_187 = tpu.memref_slice %arg4[%add3A_178, %dma_start3A_186] : memref<425984x128xf32, #tpu.memory_space<hbm>> -> memref<128x128xf32, #tpu.memory_space<hbm>>
      %dma_start3A_188 = arith.constant 0 : i32
      %dma_start3A_189 = arith.constant 0 : i32
      %dma_start3A_190 = tpu.memref_slice %arg6[%dma_start3A_179, %dma_start3A_188, %dma_start3A_189] : memref<4x128x128xf32, #tpu.memory_space<vmem>> -> memref<1x128x128xf32, #tpu.memory_space<vmem>>
      %dma_start3A_191 = tpu.memref_squeeze %dma_start3A_190 : memref<1x128x128xf32, #tpu.memory_space<vmem>> -> memref<128x128xf32, #tpu.memory_space<vmem>>
      tpu.enqueue_dma source(%dma_start3A_191 : memref<128x128xf32, #tpu.memory_space<vmem>>) target(%dma_start3A_187 : memref<128x128xf32, #tpu.memory_space<hbm>>) target_semaphore(%arg11 : memref<!tpu.dma_semaphore, #tpu.memory_space<semaphore_mem>>)
      %add3A_192 = arith.constant 4 : i32
      %add3A_193 = arith.addi %add3A_164, %add3A_192 : i32
      %sub3A_194 = arith.constant 1 : i32
      %sub3A_195 = arith.subi %add3A_193, %sub3A_194 : i32
      %lt3A_196 = arith.constant 104 : i32
      %lt3A_197 = arith.cmpi slt, %sub3A_195, %lt3A_196 : i32
      %convert_element_type3A_198 = arith.extui %lt3A_197 : i1 to i32
      %cond3A_199 = arith.constant 0 : i32
      %cond3A_200 = arith.cmpi ne, %convert_element_type3A_198, %cond3A_199 : i32
      scf.if %cond3A_200 {
        %dma_wait3A_239 = arith.constant 0 : i32
        %dma_wait3A_240 = arith.constant 0 : i32
        %dma_wait3A_241 = arith.constant 0 : i32
        %dma_wait3A_242 = tpu.memref_slice %arg6[%dma_wait3A_239, %dma_wait3A_240, %dma_wait3A_241] : memref<4x128x128xf32, #tpu.memory_space<vmem>> -> memref<1x128x128xf32, #tpu.memory_space<vmem>>
        %dma_wait3A_243 = tpu.memref_squeeze %dma_wait3A_242 : memref<1x128x128xf32, #tpu.memory_space<vmem>> -> memref<128x128xf32, #tpu.memory_space<vmem>>
        %dma_wait3A_244 = arith.constant 0 : i32
        %dma_wait3A_245 = tpu.memref_slice %arg4[%mul3A_2, %dma_wait3A_244] : memref<425984x128xf32, #tpu.memory_space<hbm>> -> memref<128x128xf32, #tpu.memory_space<hbm>>
        %dma_wait3A_246 = arith.constant 0 : i32
        %dma_wait3A_247 = tpu.memref_slice %arg4[%mul3A_2, %dma_wait3A_246] : memref<425984x128xf32, #tpu.memory_space<hbm>> -> memref<128x128xf32, #tpu.memory_space<hbm>>
        %dma_wait3A_248 = arith.constant 0 : i32
        %dma_wait3A_249 = arith.constant 0 : i32
        %dma_wait3A_250 = tpu.memref_slice %arg6[%dma_wait3A_239, %dma_wait3A_248, %dma_wait3A_249] : memref<4x128x128xf32, #tpu.memory_space<vmem>> -> memref<1x128x128xf32, #tpu.memory_space<vmem>>
        %dma_wait3A_251 = tpu.memref_squeeze %dma_wait3A_250 : memref<1x128x128xf32, #tpu.memory_space<vmem>> -> memref<128x128xf32, #tpu.memory_space<vmem>>
        tpu.wait_dma2 semaphore(%arg11 : memref<!tpu.dma_semaphore, #tpu.memory_space<semaphore_mem>>) src(%dma_wait3A_251 : memref<128x128xf32, #tpu.memory_space<vmem>>) dst(%dma_wait3A_247 : memref<128x128xf32, #tpu.memory_space<hbm>>)
        %dma_start3A_252 = arith.constant 1 : i32
        %dma_start3A_253 = arith.constant 0 : i32
        %dma_start3A_254 = arith.constant 0 : i32
        %dma_start3A_255 = tpu.memref_slice %arg6[%dma_start3A_252, %dma_start3A_253, %dma_start3A_254] : memref<4x128x128xf32, #tpu.memory_space<vmem>> -> memref<1x128x128xf32, #tpu.memory_space<vmem>>
        %dma_start3A_256 = tpu.memref_squeeze %dma_start3A_255 : memref<1x128x128xf32, #tpu.memory_space<vmem>> -> memref<128x128xf32, #tpu.memory_space<vmem>>
        %dma_start3A_257 = arith.constant 0 : i32
        %dma_start3A_258 = tpu.memref_slice %arg5[%sub3A_195, %dma_start3A_257] : memref<104x128xi32, #tpu.memory_space<vmem>> -> memref<1x128xi32, #tpu.memory_space<vmem>>
        %dma_start3A_259 = tpu.memref_squeeze %dma_start3A_258 : memref<1x128xi32, #tpu.memory_space<vmem>> -> memref<128xi32, #tpu.memory_space<vmem>>
        %dma_start3A_260 = arith.constant 0 : i32
        %dma_start3A_261 = arith.constant 0 : i32
        %dma_start3A_262 = tpu.memref_slice %arg2[%dma_start3A_260, %dma_start3A_261] : memref<100000x128xf32, #tpu.memory_space<hbm>> -> memref<100000x128xf32, #tpu.memory_space<hbm>>
        tpu.enqueue_indirect_dma source(%dma_start3A_262 : memref<100000x128xf32, #tpu.memory_space<hbm>>) target(%dma_start3A_256 : memref<128x128xf32, #tpu.memory_space<vmem>>) offsets(%dma_start3A_259 : memref<128xi32, #tpu.memory_space<vmem>>) semaphore(%arg8 : memref<!tpu.dma_semaphore, #tpu.memory_space<semaphore_mem>>)
      } else {
      }
      %add3A_201 = arith.constant 3 : i32
      %add3A_202 = arith.addi %add3A_86, %add3A_201 : i32
      %dma_wait3A_203 = arith.constant 3 : i32
      %dma_wait3A_204 = arith.constant 0 : i32
      %dma_wait3A_205 = arith.constant 0 : i32
      %dma_wait3A_206 = tpu.memref_slice %arg6[%dma_wait3A_203, %dma_wait3A_204, %dma_wait3A_205] : memref<4x128x128xf32, #tpu.memory_space<vmem>> -> memref<1x128x128xf32, #tpu.memory_space<vmem>>
      %dma_wait3A_207 = tpu.memref_squeeze %dma_wait3A_206 : memref<1x128x128xf32, #tpu.memory_space<vmem>> -> memref<128x128xf32, #tpu.memory_space<vmem>>
      %dma_wait3A_208 = arith.constant 0 : i32
      %dma_wait3A_209 = tpu.memref_slice %arg5[%add3A_202, %dma_wait3A_208] : memref<104x128xi32, #tpu.memory_space<vmem>> -> memref<1x128xi32, #tpu.memory_space<vmem>>
      %dma_wait3A_210 = tpu.memref_squeeze %dma_wait3A_209 : memref<1x128xi32, #tpu.memory_space<vmem>> -> memref<128xi32, #tpu.memory_space<vmem>>
      %dma_wait3A_211 = arith.constant 0 : i32
      %dma_wait3A_212 = arith.constant 0 : i32
      %dma_wait3A_213 = tpu.memref_slice %arg2[%dma_wait3A_211, %dma_wait3A_212] : memref<100000x128xf32, #tpu.memory_space<hbm>> -> memref<100000x128xf32, #tpu.memory_space<hbm>>
      tpu.wait_indirect_dma semaphore(%arg10 : memref<!tpu.dma_semaphore, #tpu.memory_space<semaphore_mem>>) src(%dma_wait3A_213 : memref<100000x128xf32, #tpu.memory_space<hbm>>) dst(%dma_wait3A_207 : memref<128x128xf32, #tpu.memory_space<vmem>>)
      %mul3A_214 = arith.constant 128 : i32
      %mul3A_215 = arith.muli %add3A_202, %mul3A_214 : i32
      %add3A_216 = arith.addi %mul3A_2, %mul3A_215 : i32
      %dma_start3A_217 = arith.constant 3 : i32
      %dma_start3A_218 = arith.constant 0 : i32
      %dma_start3A_219 = arith.constant 0 : i32
      %dma_start3A_220 = tpu.memref_slice %arg6[%dma_start3A_217, %dma_start3A_218, %dma_start3A_219] : memref<4x128x128xf32, #tpu.memory_space<vmem>> -> memref<1x128x128xf32, #tpu.memory_space<vmem>>
      %dma_start3A_221 = tpu.memref_squeeze %dma_start3A_220 : memref<1x128x128xf32, #tpu.memory_space<vmem>> -> memref<128x128xf32, #tpu.memory_space<vmem>>
      %dma_start3A_222 = arith.constant 0 : i32
      %dma_start3A_223 = tpu.memref_slice %arg4[%add3A_216, %dma_start3A_222] : memref<425984x128xf32, #tpu.memory_space<hbm>> -> memref<128x128xf32, #tpu.memory_space<hbm>>
      %dma_start3A_224 = arith.constant 0 : i32
      %dma_start3A_225 = tpu.memref_slice %arg4[%add3A_216, %dma_start3A_224] : memref<425984x128xf32, #tpu.memory_space<hbm>> -> memref<128x128xf32, #tpu.memory_space<hbm>>
      %dma_start3A_226 = arith.constant 0 : i32
      %dma_start3A_227 = arith.constant 0 : i32
      %dma_start3A_228 = tpu.memref_slice %arg6[%dma_start3A_217, %dma_start3A_226, %dma_start3A_227] : memref<4x128x128xf32, #tpu.memory_space<vmem>> -> memref<1x128x128xf32, #tpu.memory_space<vmem>>
      %dma_start3A_229 = tpu.memref_squeeze %dma_start3A_228 : memref<1x128x128xf32, #tpu.memory_space<vmem>> -> memref<128x128xf32, #tpu.memory_space<vmem>>
      tpu.enqueue_dma source(%dma_start3A_229 : memref<128x128xf32, #tpu.memory_space<vmem>>) target(%dma_start3A_225 : memref<128x128xf32, #tpu.memory_space<hbm>>) target_semaphore(%arg11 : memref<!tpu.dma_semaphore, #tpu.memory_space<semaphore_mem>>)
      %add3A_230 = arith.constant 4 : i32
      %add3A_231 = arith.addi %add3A_202, %add3A_230 : i32
      %sub3A_232 = arith.constant 1 : i32
      %sub3A_233 = arith.subi %add3A_231, %sub3A_232 : i32
      %lt3A_234 = arith.constant 104 : i32
      %lt3A_235 = arith.cmpi slt, %sub3A_233, %lt3A_234 : i32
      %convert_element_type3A_236 = arith.extui %lt3A_235 : i1 to i32
      %cond3A_237 = arith.constant 0 : i32
      %cond3A_238 = arith.cmpi ne, %convert_element_type3A_236, %cond3A_237 : i32
      scf.if %cond3A_238 {
        %dma_wait3A_239 = arith.constant 0 : i32
        %dma_wait3A_240 = arith.constant 0 : i32
        %dma_wait3A_241 = arith.constant 0 : i32
        %dma_wait3A_242 = tpu.memref_slice %arg6[%dma_wait3A_239, %dma_wait3A_240, %dma_wait3A_241] : memref<4x128x128xf32, #tpu.memory_space<vmem>> -> memref<1x128x128xf32, #tpu.memory_space<vmem>>
        %dma_wait3A_243 = tpu.memref_squeeze %dma_wait3A_242 : memref<1x128x128xf32, #tpu.memory_space<vmem>> -> memref<128x128xf32, #tpu.memory_space<vmem>>
        %dma_wait3A_244 = arith.constant 0 : i32
        %dma_wait3A_245 = tpu.memref_slice %arg4[%mul3A_2, %dma_wait3A_244] : memref<425984x128xf32, #tpu.memory_space<hbm>> -> memref<128x128xf32, #tpu.memory_space<hbm>>
        %dma_wait3A_246 = arith.constant 0 : i32
        %dma_wait3A_247 = tpu.memref_slice %arg4[%mul3A_2, %dma_wait3A_246] : memref<425984x128xf32, #tpu.memory_space<hbm>> -> memref<128x128xf32, #tpu.memory_space<hbm>>
        %dma_wait3A_248 = arith.constant 0 : i32
        %dma_wait3A_249 = arith.constant 0 : i32
        %dma_wait3A_250 = tpu.memref_slice %arg6[%dma_wait3A_239, %dma_wait3A_248, %dma_wait3A_249] : memref<4x128x128xf32, #tpu.memory_space<vmem>> -> memref<1x128x128xf32, #tpu.memory_space<vmem>>
        %dma_wait3A_251 = tpu.memref_squeeze %dma_wait3A_250 : memref<1x128x128xf32, #tpu.memory_space<vmem>> -> memref<128x128xf32, #tpu.memory_space<vmem>>
        tpu.wait_dma2 semaphore(%arg11 : memref<!tpu.dma_semaphore, #tpu.memory_space<semaphore_mem>>) src(%dma_wait3A_251 : memref<128x128xf32, #tpu.memory_space<vmem>>) dst(%dma_wait3A_247 : memref<128x128xf32, #tpu.memory_space<hbm>>)
        %dma_start3A_252 = arith.constant 2 : i32
        %dma_start3A_253 = arith.constant 0 : i32
        %dma_start3A_254 = arith.constant 0 : i32
        %dma_start3A_255 = tpu.memref_slice %arg6[%dma_start3A_252, %dma_start3A_253, %dma_start3A_254] : memref<4x128x128xf32, #tpu.memory_space<vmem>> -> memref<1x128x128xf32, #tpu.memory_space<vmem>>
        %dma_start3A_256 = tpu.memref_squeeze %dma_start3A_255 : memref<1x128x128xf32, #tpu.memory_space<vmem>> -> memref<128x128xf32, #tpu.memory_space<vmem>>
        %dma_start3A_257 = arith.constant 0 : i32
        %dma_start3A_258 = tpu.memref_slice %arg5[%sub3A_233, %dma_start3A_257] : memref<104x128xi32, #tpu.memory_space<vmem>> -> memref<1x128xi32, #tpu.memory_space<vmem>>
        %dma_start3A_259 = tpu.memref_squeeze %dma_start3A_258 : memref<1x128xi32, #tpu.memory_space<vmem>> -> memref<128xi32, #tpu.memory_space<vmem>>
        %dma_start3A_260 = arith.constant 0 : i32
        %dma_start3A_261 = arith.constant 0 : i32
        %dma_start3A_262 = tpu.memref_slice %arg2[%dma_start3A_260, %dma_start3A_261] : memref<100000x128xf32, #tpu.memory_space<hbm>> -> memref<100000x128xf32, #tpu.memory_space<hbm>>
        tpu.enqueue_indirect_dma source(%dma_start3A_262 : memref<100000x128xf32, #tpu.memory_space<hbm>>) target(%dma_start3A_256 : memref<128x128xf32, #tpu.memory_space<vmem>>) offsets(%dma_start3A_259 : memref<128xi32, #tpu.memory_space<vmem>>) semaphore(%arg9 : memref<!tpu.dma_semaphore, #tpu.memory_space<semaphore_mem>>)
      } else {
      }
    }
    %scan3A_43 = arith.constant 26 : i32
    %dma_wait3A = arith.constant 0 : i32
    %dma_wait3A_44 = arith.constant 0 : i32
    %dma_wait3A_45 = arith.constant 0 : i32
    %dma_wait3A_46 = tpu.memref_slice %arg6[%dma_wait3A, %dma_wait3A_44, %dma_wait3A_45] : memref<4x128x128xf32, #tpu.memory_space<vmem>> -> memref<1x128x128xf32, #tpu.memory_space<vmem>>
    %dma_wait3A_47 = tpu.memref_squeeze %dma_wait3A_46 : memref<1x128x128xf32, #tpu.memory_space<vmem>> -> memref<128x128xf32, #tpu.memory_space<vmem>>
    %dma_wait3A_48 = arith.constant 0 : i32
    %dma_wait3A_49 = tpu.memref_slice %arg4[%mul3A_2, %dma_wait3A_48] : memref<425984x128xf32, #tpu.memory_space<hbm>> -> memref<128x128xf32, #tpu.memory_space<hbm>>
    %dma_wait3A_50 = arith.constant 0 : i32
    %dma_wait3A_51 = tpu.memref_slice %arg4[%mul3A_2, %dma_wait3A_50] : memref<425984x128xf32, #tpu.memory_space<hbm>> -> memref<128x128xf32, #tpu.memory_space<hbm>>
    %dma_wait3A_52 = arith.constant 0 : i32
    %dma_wait3A_53 = arith.constant 0 : i32
    %dma_wait3A_54 = tpu.memref_slice %arg6[%dma_wait3A, %dma_wait3A_52, %dma_wait3A_53] : memref<4x128x128xf32, #tpu.memory_space<vmem>> -> memref<1x128x128xf32, #tpu.memory_space<vmem>>
    %dma_wait3A_55 = tpu.memref_squeeze %dma_wait3A_54 : memref<1x128x128xf32, #tpu.memory_space<vmem>> -> memref<128x128xf32, #tpu.memory_space<vmem>>
    tpu.wait_dma2 semaphore(%arg11 : memref<!tpu.dma_semaphore, #tpu.memory_space<semaphore_mem>>) src(%dma_wait3A_55 : memref<128x128xf32, #tpu.memory_space<vmem>>) dst(%dma_wait3A_51 : memref<128x128xf32, #tpu.memory_space<hbm>>)
    %dma_wait3A_56 = arith.constant 0 : i32
    %dma_wait3A_57 = arith.constant 0 : i32
    %dma_wait3A_58 = arith.constant 0 : i32
    %dma_wait3A_59 = tpu.memref_slice %arg6[%dma_wait3A_56, %dma_wait3A_57, %dma_wait3A_58] : memref<4x128x128xf32, #tpu.memory_space<vmem>> -> memref<1x128x128xf32, #tpu.memory_space<vmem>>
    %dma_wait3A_60 = tpu.memref_squeeze %dma_wait3A_59 : memref<1x128x128xf32, #tpu.memory_space<vmem>> -> memref<128x128xf32, #tpu.memory_space<vmem>>
    %dma_wait3A_61 = arith.constant 0 : i32
    %dma_wait3A_62 = tpu.memref_slice %arg4[%mul3A_2, %dma_wait3A_61] : memref<425984x128xf32, #tpu.memory_space<hbm>> -> memref<128x128xf32, #tpu.memory_space<hbm>>
    %dma_wait3A_63 = arith.constant 0 : i32
    %dma_wait3A_64 = tpu.memref_slice %arg4[%mul3A_2, %dma_wait3A_63] : memref<425984x128xf32, #tpu.memory_space<hbm>> -> memref<128x128xf32, #tpu.memory_space<hbm>>
    %dma_wait3A_65 = arith.constant 0 : i32
    %dma_wait3A_66 = arith.constant 0 : i32
    %dma_wait3A_67 = tpu.memref_slice %arg6[%dma_wait3A_56, %dma_wait3A_65, %dma_wait3A_66] : memref<4x128x128xf32, #tpu.memory_space<vmem>> -> memref<1x128x128xf32, #tpu.memory_space<vmem>>
    %dma_wait3A_68 = tpu.memref_squeeze %dma_wait3A_67 : memref<1x128x128xf32, #tpu.memory_space<vmem>> -> memref<128x128xf32, #tpu.memory_space<vmem>>
    tpu.wait_dma2 semaphore(%arg11 : memref<!tpu.dma_semaphore, #tpu.memory_space<semaphore_mem>>) src(%dma_wait3A_68 : memref<128x128xf32, #tpu.memory_space<vmem>>) dst(%dma_wait3A_64 : memref<128x128xf32, #tpu.memory_space<hbm>>)
    %dma_wait3A_69 = arith.constant 0 : i32
    %dma_wait3A_70 = arith.constant 0 : i32
    %dma_wait3A_71 = arith.constant 0 : i32
    %dma_wait3A_72 = tpu.memref_slice %arg6[%dma_wait3A_69, %dma_wait3A_70, %dma_wait3A_71] : memref<4x128x128xf32, #tpu.memory_space<vmem>> -> memref<1x128x128xf32, #tpu.memory_space<vmem>>
    %dma_wait3A_73 = tpu.memref_squeeze %dma_wait3A_72 : memref<1x128x128xf32, #tpu.memory_space<vmem>> -> memref<128x128xf32, #tpu.memory_space<vmem>>
    %dma_wait3A_74 = arith.constant 0 : i32
    %dma_wait3A_75 = tpu.memref_slice %arg4[%mul3A_2, %dma_wait3A_74] : memref<425984x128xf32, #tpu.memory_space<hbm>> -> memref<128x128xf32, #tpu.memory_space<hbm>>
    %dma_wait3A_76 = arith.constant 0 : i32
    %dma_wait3A_77 = tpu.memref_slice %arg4[%mul3A_2, %dma_wait3A_76] : memref<425984x128xf32, #tpu.memory_space<hbm>> -> memref<128x128xf32, #tpu.memory_space<hbm>>
    %dma_wait3A_78 = arith.constant 0 : i32
    %dma_wait3A_79 = arith.constant 0 : i32
    %dma_wait3A_80 = tpu.memref_slice %arg6[%dma_wait3A_69, %dma_wait3A_78, %dma_wait3A_79] : memref<4x128x128xf32, #tpu.memory_space<vmem>> -> memref<1x128x128xf32, #tpu.memory_space<vmem>>
    %dma_wait3A_81 = tpu.memref_squeeze %dma_wait3A_80 : memref<1x128x128xf32, #tpu.memory_space<vmem>> -> memref<128x128xf32, #tpu.memory_space<vmem>>
    tpu.wait_dma2 semaphore(%arg11 : memref<!tpu.dma_semaphore, #tpu.memory_space<semaphore_mem>>) src(%dma_wait3A_81 : memref<128x128xf32, #tpu.memory_space<vmem>>) dst(%dma_wait3A_77 : memref<128x128xf32, #tpu.memory_space<hbm>>)
    return
  }
}

</mosaic_0001>

<sc_bundles>
// kernel: _embedding_gather.3.cloned.1.call-start
scs
__scs_entry_jumppad:
0x0: {  	(pc) =	sbr.rel $0x88, $3  }
0x1: {  	(tag) =	ssettag $0x0;
	lr =	simm.s32 $0x1  }
0x2: {  	[smem:$0x3F9F] =	sst lr;
	_ =	strace $0xD0000000  }
0x3: {  	_ = 	snop  }
0x4: {  	_ = 	snop  }
0x5: {  	_ = 	snop  }
0x6: {  	_ = 	snop  }
0x7: {  	_ = 	snop  }
__scs_overlays_trampoline_lowered:
0x8: {  	[smem:$0x3FAE] =	sst s0  }
0x9: {  	[smem:$0x3FAF] =	sst s1  }
0xa: {  	[smem:$0x3FB0] =	sst s2  }
0xb: {  	[smem:$0x3FB1] =	sst s3  }
0xc: {  	[smem:$0x3FB2] =	sst s4  }
0xd: {  	[smem:$0x3FB3] =	sst s5  }
0xe: {  	[smem:$0x3FB4] =	sst s6  }
0xf: {  	[smem:$0x3FB5] =	sst s7  }
0x10: {  	[smem:$0x3FB6] =	sst s8  }
0x11: {  	[smem:$0x3FB7] =	sst s9;
	s0 =	simm.s32 @!p0 $0x0  }
0x12: {  	s1 =	sld [smem:$0x3F9D];
	s0 =	simm.s32 @p0 $0x1  }
0x13: {  	[smem:$0x3FB8] =	sst s0;
	s0 =	simm.s32 @!p1 $0x0  }
0x14: {  	s2 =	sld [smem:$0x3F9C];
	s0 =	simm.s32 @p1 $0x1  }
0x15: {  	[smem:$0x3FB9] =	sst s0;
	s0 =	simm.s32 @!p2 $0x0  }
0x16: {  	s3 =	sld [smem:$0x3FDB];
	s0 =	simm.s32 @p2 $0x1  }
0x17: {  	s4 =	simm.s32 $0x1BF5;
	[smem:$0x3FBB] =	sst s0  }
0x18: {  	s0 =	sld [smem:$0x3F9E];
	_ =	swait.ge [sflag:s4], $0x0  }
0x19: {  	s7 =	sld [smem:$0x3F9F]  }
0x1a: {  	s8 =	sadd.s32 $0xFFFFE003, lr  }
0x1b: {  	s9 =	sadd.s32 $0xFFFFFEF7, lr;
	s5 =	simm.s32 $0xFFFFFFFF;
	p2 =	slt.u32 s8, $0xFFFFF086  }
0x1c: {  	p1 =	slt.u32 s9, $0xF7A;
	s5 =	simm.s32 @!p2 $0x0  }
0x1d: {  	s5 =	simm.s32 @p1 $0x1;
	p0 =	seq.s32 s7, s2  }
0x1e: {  	s7 =	smul.u32 @!p0 $0xF7A, s2;
	p2 =	seq.s32 @!p0 s5, $0x0  }
0x1f: {  	s9 =	smul.u32 $0xF7A, s1;
	s8 =	simm.s32 @!p0 $0x1BF5;
	p2 =	por !p2, p0  }
0x20: {  	[sflag:s8] =	ssyncset.s32 @!p0 $0xFFFFF086;
	s6 =	sadd.s32 @!p0 s3, s7;
	s7 =	simm.s32 @!p0 $0x108  }
0x21: {  	s3 =	sadd.s32 s3, s9;
	s6 =	sadd.s32 @!p0 $0x88, s6;
	s7 =	simm.s32 @p2 $0x1082  }
0x22: {  	[simem:s7], [sflag:s8] =	dma.local @!p0 [hbm:s6], $0xF7A  }
0x23: {  	s9 =	sor.u32 $0xD0000000, s2;
	s6 =	simm.s32 $0x108;
	_ =	swait.ge @!p0 [sflag:s8], $0x0  }
0x24: {  	s3 =	sadd.s32 $0x88, s3;
	s6 =	simm.s32 @!p1 $0x1082;
	[sflag:s4] =	ssyncset.s32 $0xFFFFF086  }
0x25: {  	[simem:s6], [sflag:s4] =	dma.local [hbm:s3], $0xF7A  }
0x26: {  	[smem:$0x3F9F] =	sst s1;
	(tag) =	ssettag s2;
	_ =	strace s9  }
0x27: {  	s1 =	sld [smem:$0x3FAF]  }
0x28: {  	s2 =	sld [smem:$0x3FB0]  }
0x29: {  	s4 =	sld [smem:$0x3FB2]  }
0x2a: {  	p0 =	seq.s32 s5, $0x0;
	s5 =	sld [smem:$0x3FB3]  }
0x2b: {  	s6 =	sld [smem:$0x3FB4]  }
0x2c: {  	s7 =	sld [smem:$0x3FB5]  }
0x2d: {  	s3 =	simm.s32 $0x108;
	s8 =	sld [smem:$0x3FB6]  }
0x2e: {  	s3 =	simm.s32 @!p0 $0x1082;
	s9 =	sld [smem:$0x3FB7]  }
0x2f: {  	lr =	sadd.s32 s0, s3;
	s0 =	sld [smem:$0x3FAE]  }
0x30: {  	s3 =	sld [smem:$0x3FB1]  }
0x31: {  	[smem:$0x3FBA] =	sst s10  }
0x32: {  	s10 =	sld [smem:$0x3FB8];
	_ =	sdelay $0x3  }
0x33: {  	p0 =	seq.s32 s10, $0x1;
	s10 =	sld [smem:$0x3FBA];
	_ =	sdelay $0x3  }
0x34: {  	[smem:$0x3FBA] =	sst s10  }
0x35: {  	s10 =	sld [smem:$0x3FB9];
	_ =	sdelay $0x3  }
0x36: {  	p1 =	seq.s32 s10, $0x1;
	s10 =	sld [smem:$0x3FBA];
	_ =	sdelay $0x3  }
0x37: {  	[smem:$0x3FBA] =	sst s10  }
0x38: {  	s10 =	sld [smem:$0x3FBB]  }
0x39: {  	_ = 	snop;
	(pc) =	sbr.ind lr, $3  }
0x3a: {  	_ = 	snop  }
0x3b: {  	_ = 	snop  }
0x3c: {  	p2 =	seq.s32 s10, $0x1;
	s10 =	sld [smem:$0x3FBA]  }
0x3d: {  	_ =	shalt  }
0x3e: {  	_ =	shalt  }
0x3f: {  	_ =	shalt  }
0x40: {  	_ =	shalt  }
0x41: {  	_ =	shalt  }
0x42: {  	_ =	shalt  }
0x43: {  	_ =	shalt  }
0x44: {  	_ =	shalt  }
0x45: {  	_ =	shalt  }
0x46: {  	_ =	shalt  }
0x47: {  	_ =	shalt  }
0x48: {  	_ =	shalt  }
0x49: {  	_ =	shalt  }
0x4a: {  	_ =	shalt  }
0x4b: {  	_ =	shalt  }
0x4c: {  	_ =	shalt  }
0x4d: {  	_ =	shalt  }
0x4e: {  	_ =	shalt  }
0x4f: {  	_ =	shalt  }
0x50: {  	_ =	shalt  }
0x51: {  	_ =	shalt  }
0x52: {  	_ =	shalt  }
0x53: {  	_ =	shalt  }
0x54: {  	_ =	shalt  }
0x55: {  	_ =	shalt  }
0x56: {  	_ =	shalt  }
0x57: {  	_ =	shalt  }
0x58: {  	_ =	shalt  }
0x59: {  	_ =	shalt  }
0x5a: {  	_ =	shalt  }
0x5b: {  	_ =	shalt  }
0x5c: {  	_ =	shalt  }
0x5d: {  	_ =	shalt  }
0x5e: {  	_ =	shalt  }
0x5f: {  	_ =	shalt  }
0x60: {  	_ =	shalt  }
0x61: {  	_ =	shalt  }
0x62: {  	_ =	shalt  }
0x63: {  	_ =	shalt  }
0x64: {  	_ =	shalt  }
0x65: {  	_ =	shalt  }
0x66: {  	_ =	shalt  }
0x67: {  	_ =	shalt  }
0x68: {  	_ =	shalt  }
0x69: {  	_ =	shalt  }
0x6a: {  	_ =	shalt  }
0x6b: {  	_ =	shalt  }
0x6c: {  	_ =	shalt  }
0x6d: {  	_ =	shalt  }
0x6e: {  	_ =	shalt  }
0x6f: {  	_ =	shalt  }
0x70: {  	_ =	shalt  }
0x71: {  	_ =	shalt  }
0x72: {  	_ =	shalt  }
0x73: {  	_ =	shalt  }
0x74: {  	_ =	shalt  }
0x75: {  	_ =	shalt  }
0x76: {  	_ =	shalt  }
0x77: {  	_ =	shalt  }
0x78: {  	_ =	shalt  }
0x79: {  	_ =	shalt  }
0x7a: {  	_ =	shalt  }
0x7b: {  	_ =	shalt  }
0x7c: {  	_ =	shalt  }
0x7d: {  	_ =	shalt  }
0x7e: {  	_ =	shalt  }
0x7f: {  	_ =	shalt  }
0x80: {  	_ =	shalt  }
0x81: {  	_ =	shalt  }
0x82: {  	_ =	shalt  }
0x83: {  	_ =	shalt  }
0x84: {  	_ =	shalt  }
0x85: {  	_ =	shalt  }
0x86: {  	_ =	shalt  }
0x87: {  	_ =	shalt  }
.Lfunc_end0:
.L_simem_size_0:
called_computation_lowered:
.L_overlay_start_0:
0x88: {  	s2 =	sld [smem:$0x3FD9]  }
0x89: {  	s3 =	sld [smem:$0x3FFE];
	_ =	sdelay $0x1  }
0x8a: {  	s1 =	srdreg.scid  }
0x8b: {  	s0 =	sand.u32 $0x1, s1  }
0x8c: {  	s18 =	sshll.u32 s0, $0xA;
	s2 =	sadd.s32 s3, s2  }
0x8d: {  	s2 =	sadd.s32 s2, s18  }
0x8e: {  	[smem:$0x3FC6] =	sst s2  }
0x8f: {  	_ = 	snop  }
0x90: {  	s2 =	sld [smem:$0x3FC9]  }
0x91: {  	s19 =	sld [smem:$0x3FC8]  }
0x92: {  	s4 =	sld [smem:$0x3FD0];
	(tm) =	ssettm $0x1  }
0x93: {  	s5 =	sld [smem:$0x3FFB];
	_ =	sdelay $0x3  }
0x94: {  	_ =	strace s5  }
0x95: {  	s5 =	sld [smem:$0x3FFC];
	_ =	sdelay $0x3  }
0x96: {  	_ =	strace s5  }
0x97: {  	s5 =	sld [smem:$0x3FFD];
	_ =	sdelay $0x3  }
0x98: {  	_ =	strace s5  }
0x99: {  	_ =	strace $0x8FFFFFFF  }
0x9a: {  	s20 =	sld [smem:$0x3FDB];
	_ =	sdelay $0x1  }
0x9b: {  	s6 =	simm.s32 $_scs_section_size  }
0x9c: {  	s7 =	simm.s32 $_size__tile_overlayer_lowered;
	s8 =	simm.s32 $_tile_overlayer_lowered  }
0x9d: {  	s23 =	simm.s32 $0x1BFF;
	s22 =	sshll.u32 s8, $0x1;
	s5 =	sadd.s32 s6, s20  }
0x9e: {  	s9 =	simm.s32 $0x0;
	s21 =	sshll.u32 s7, $0x1;
	s7 =	sadd.s32 s22, s5  }
0x9f: {  	[timem:s9], [sflag:s23] =	dma.local [hbm:s7], s21  }
0xa0: {  	_ =	swait.ge [sflag:s23], s21  }
0xa1: {  	s6 =	ssub.s32 $0x0, s21;
	[sflag:s23] =	ssyncset.done $0x0  }
0xa2: {  	[sflag:s23] =	ssyncadd.s32 s6;
	_ =	sdelay $0x1  }
0xa3: {  	s24 =	simm.s32 $0x1B8B  }
0xa4: {  	_ =	swait.ge [sflag:s24], $0x1  }
0xa5: {  	[sflag:s24] =	ssyncset.done $0x0  }
0xa6: {  	s25 =	simm.s32 $0x1B8E;
	[sflag:s24] =	ssyncadd.s32 $0xFFFFFFFF  }
0xa7: {  	s26 =	simm.s32 $execute0_lowered;
	[smem:$0x3FD2] =	sst s25  }
0xa8: {  	s6 =	sshll.u32 s26, $0x1;
	_ =	strace $0x80000046;
	[dreg:$0x1] =	wrdreg $0xFFFFFFFF  }
0xa9: {  	s28 =	simm.s32 $_size_execute0_lowered;
	s5 =	sadd.s32 s5, s6;
	[dreg:$0x0] =	wrdreg $0x0  }
0xaa: {  	s6 =	sshll.u32 s28, $0x1;
	[dreg:$0x2] =	wrdreg s5  }
0xab: {  	[dreg:$0x3] =	wrdreg s6  }
0xac: {  	[dreg:$0x4] =	wrdreg $0xC0  }
0xad: {  	_ =	task [dreg:s9], $0x5FFFF  }
0xae: {  	[dreg:$0x1] =	wrdreg $0xFFFFFFFF  }
0xaf: {  	[dreg:$0x0] =	wrdreg $0x60  }
0xb0: {  	[dreg:$0x2] =	wrdreg s2  }
0xb1: {  	[dreg:$0x3] =	wrdreg s19  }
0xb2: {  	[dreg:$0x4] =	wrdreg s4  }
0xb3: {  	[dreg:$0x5] =	wrdreg $0x9  }
0xb4: {  	_ =	task.clear_ibuf [dreg:s9], $0x6FFFF;
	_ =	strace $0x90000046  }
0xb5: {  	s29 =	simm.s32 $0x9;
	_ =	strace $0x80000048  }
0xb6: {  	_ =	swait.ge [sflag:s29], $0x1  }
0xb7: {  	[sflag:s29] =	ssyncadd.s32 $0xFFFFFFFF  }
0xb8: {  	_ =	strace $0x90000048  }
0xb9: {  	_ =	sfence  }
0xba: {  	s30 =	sld [smem:$0x0];
	_ =	sdelay $0x2  }
0xbb: {  	s31 =	sshll.u32 s1, $0xD;
	s1 =	sshrl.u32 s1, $0x2  }
0xbc: {  	s3 =	sand.u32 $0x4000, s31;
	s1 =	sadd.s32 s1, s30  }
0xbd: {  	s0 =	sor.u32 s3, s0;
	s1 =	sshll.u32 s1, $0x11  }
0xbe: {  	s0 =	sor.u32 s1, s0  }
0xbf: {  	s0 =	sadd.s32 $0x8F2B, s0  }
0xc0: {  	[sflag:s0] =	ssyncadd.remote.s32 $0x1  }
0xc1: {  	_ =	sfence.sel $0xFFFF  }
0xc2: {  	[dreg:$0x0] =	wrdreg $0xFFFFFFFF;
	(pc) =	sbr.abs _section_cstart, $3  }
0xc3: {  	[dreg:$0x1] =	wrdreg $0xFFFFFFFF  }
0xc4: {  	_ =	task.clear_ibuf [dreg:s9], $0x2FFFF;
	_ =	strace $0x9FFFFFFF  }
0xc5: {  	(tm) =	ssettm $0x7FFFFFFF  }
tec
execute0_lowered:
.L_overlay_start_1:
0x0: {  	(tag) =	ssettag $0x1  }
0x1: {  	s1 =	rddreg [dreg:$0x0];
	s2 =	srdreg.scid  }
0x2: {  	s0 =	stileid.u32;
	s4 =	rddreg [dreg:$0x1]  }
0x3: {  	s9 =	rddreg [dreg:$0x2];
	s3 =	simm.s32 $0x0;
	s12 =	simm.s32 $0x3400  }
0x4: {  	s13 =	simm.s32 $0x7400;
	s14 =	simm.s32 $0x100;
	s15 =	simm.s32 $0xB400  }
0x5: {  	s16 =	simm.s32 $0x1;
	s17 =	simm.s32 $0xF400;
	s18 =	simm.s32 $0x2  }
0x6: {  	s19 =	simm.s32 $0x4;
	s20 =	simm.s32 $0x5;
	s11 =	smul.u32 $0x340000, s0  }
0x7: {  	s21 =	simm.s32 $0x0;
	s6 =	sand.u32 $0x1, s2;
	s29 =	smul.u32 $0x68000, s0  }
0x8: {  	s25 =	sshll.u32 s0, $0x1;
	[smem:$0x7FF] =	sst s3;
	s28 =	smul.u32 $0x1A0000, s6  }
0x9: {  	s5 =	sor.u32 s6, s25;
	s8 =	ssub.s32 $0x2, s6;
	s30 =	smul.u32 $0x34000, s6  }
0xa: {  	_ =	strace $0x80000047;
	s7 =	smul.u32 $0x680, s5;
	s26 =	sshrl.u32 s8, $0x1  }
0xb: {  	s10 =	smul.u32 $0x34000, s5;
	s5 =	ssub.s32 s8, s26;
	s8 =	sadd.s32 s28, s11  }
.Ltmp0:
0xc: {  	s4 =	sadd.s32 s4, s7;
	s5 =	smax.u32 s5, $0x1;
	(pc) =	sbr.rel .LBB2_1-.Ltmp0, $4  }
0xd: {  	s10 =	sadd.s32 s9, s10;
	s7 =	sadd.s32 s29, s9;
	s31 =	sor.u32 $0xC000, s8  }
0xe: {  	s8 =	sshrl.u32 s8, $0x3;
	s6 =	sadd.s32 $0x33000, s10;
	s11 =	sadd.s32 s30, s7  }
0xf: {  	s10 =	sshrl.u32 s31, $0x3;
	s7 =	sadd.s32 s8, s9;
	s8 =	sadd.s32 $0x1000, s11  }
0x10: {  	s9 =	sadd.s32 s10, s9;
	s10 =	simm.s32 $0x6;
	s11 =	simm.s32 $0x80  }
.LBB2_4:
0x11: {  	s21 =	sadd.s32 $0x1, s21  }
0x12: {  	_ =	swait.ge [sflag:s20], $0x4000;
	p0 =	sne.s32 s21, s5  }
.Ltmp1:
0x13: {  	[sflag:s20] =	ssyncset.done $0x0;
	(pc) =	sbr.rel @!p0 .LBB2_5-.Ltmp1, $4  }
0x14: {  	[sflag:s20] =	ssyncadd.s32 $0xFFFFC000  }
0x15: {  	_ =	swait.ge [sflag:s20], $0x4000  }
0x16: {  	[sflag:s20] =	ssyncset.done $0x0  }
0x17: {  	[sflag:s20] =	ssyncadd.s32 $0xFFFFC000  }
.LBB2_1:
0x18: {  	[tilespmem:s3], [sflag:$0x6] =	stream.linear.gather [hbm4b:s4+s3], $0x3400, $0x38;
	[tilespmem:$0x13400] =	vst v63  }
0x19: {  	_ =	swait.ge [sflag:s10], $0x3400  }
0x1a: {  	[sflag:s10] =	ssyncset.done $0x0  }
0x1b: {  	[sflag:s10] =	ssyncadd.s32 $0xFFFFCC00  }
0x1c: {  	[tilespmem:s12], [sflag:$0x1] =	stream.indirect.gather [hbm4b:s1+s11], $0x80, s3, s11, $0xb8;
	[tilespmem:$0x13400] =	vst v63  }
0x1d: {  	s22 =	smov.u32 s9  }
0x1e: {  	[tilespmem:s13], [sflag:$0x2] =	stream.indirect.gather [hbm4b:s1+s11], $0x80, s11, s11, $0xb8;
	[tilespmem:$0x13400] =	vst v63  }
0x1f: {  	s23 =	smov.u32 s8;
	s24 =	smov.u32 s7;
	s25 =	simm.s32 $0x0  }
0x20: {  	[tilespmem:s15], [sflag:$0x3] =	stream.indirect.gather [hbm4b:s1+s11], $0x80, s14, s11, $0xb8;
	[tilespmem:$0x13400] =	vst v63  }
.LBB2_2:
0x21: {  	_ =	swait.ge [sflag:s16], $0x4000  }
0x22: {  	p0 =	seq.s32 s25, $0x0;
	[sflag:s16] =	ssyncset.done $0x0  }
0x23: {  	s28 =	simm.s32 @!p0 $0x5;
	[sflag:s16] =	ssyncadd.s32 $0xFFFFC000  }
0x24: {  	[hbm4b:s24+s3] =	stream.linear.scatter [tilespmem:s12], [sflag:$0x5], $0x4000, $0x38;
	[tilespmem:$0x13400] =	vst v63  }
0x25: {  	_ =	swait.ge @!p0 [sflag:s28], $0x4000  }
0x26: {  	s26 =	sshra.s32 s25, $0x2;
	[sflag:s28] =	ssyncset.done @!p0 $0x0  }
0x27: {  	s30 =	sadd.s32 $0x180, s26;
	[sflag:s28] =	ssyncadd.s32 @!p0 $0xFFFFC000  }
0x28: {  	[tilespmem:s17], [sflag:$0x4] =	stream.indirect.gather [hbm4b:s1+s11], $0x80, s30, s11, $0xb8;
	[tilespmem:$0x13400] =	vst v63  }
0x29: {  	_ =	swait.ge [sflag:s18], $0x4000  }
0x2a: {  	p0 =	seq.s32 s25, $0xC800;
	[sflag:s18] =	ssyncset.done $0x0  }
0x2b: {  	s31 =	sadd.s32 $0xFFFFF800, s23;
	s28 =	simm.s32 @p0 $0x3;
	[sflag:s18] =	ssyncadd.s32 $0xFFFFC000  }
0x2c: {  	[hbm4b:s31+s3] =	stream.linear.scatter [tilespmem:s13], [sflag:$0x5], $0x4000, $0x38;
	[tilespmem:$0x13400] =	vst v63  }
0x2d: {  	_ =	swait.ge @p0 [sflag:s28], $0x4000  }
0x2e: {  	[sflag:s28] =	ssyncset.done @p0 $0x0  }
0x2f: {  	s29 =	simm.s32 @p0 $0xB400;
	[sflag:s28] =	ssyncadd.s32 @p0 $0xFFFFC000;
	s28 =	simm.s32 @p0 $0x0  }
0x30: {  	[hbm4b:s6+s28] =	stream.linear.scatter @p0 [tilespmem:s29], [sflag:$0x5], $0x4000, $0x38;
	[tilespmem:$0x13400] =	vst v63  }
0x31: {  	s28 =	simm.s32 @!p0 $0x5  }
0x32: {  	_ =	swait.ge @!p0 [sflag:s28], $0x4000  }
0x33: {  	s2 =	simm.s32 @!p0 $0x3400;
	s29 =	sshra.s32 @!p0 s25, $0x2;
	[sflag:s28] =	ssyncset.done @!p0 $0x0  }
0x34: {  	s31 =	simm.s32 @!p0 $0x80;
	s30 =	sadd.s32 @!p0 $0x200, s29;
	[sflag:s28] =	ssyncadd.s32 @!p0 $0xFFFFC000  }
0x35: {  	[tilespmem:s2], [sflag:$0x1] =	stream.indirect.gather @!p0 [hbm4b:s1+s31], $0x80, s30, s31, $0xb8;
	[tilespmem:$0x13400] =	vst v63  }
0x36: {  	s2 =	simm.s32 @!p0 $0x3  }
0x37: {  	_ =	swait.ge @!p0 [sflag:s2], $0x4000  }
0x38: {  	[sflag:s2] =	ssyncset.done @!p0 $0x0  }
0x39: {  	s30 =	simm.s32 @!p0 $0xB400;
	[sflag:s2] =	ssyncadd.s32 @!p0 $0xFFFFC000;
	s2 =	simm.s32 @!p0 $0x0  }
0x3a: {  	[hbm4b:s23+s2] =	stream.linear.scatter @!p0 [tilespmem:s30], [sflag:$0x5], $0x4000, $0x38;
	[tilespmem:$0x13400] =	vst v63  }
0x3b: {  	_ =	swait.ge @!p0 [sflag:s28], $0x4000  }
0x3c: {  	[sflag:s28] =	ssyncset.done @!p0 $0x0  }
0x3d: {  	s2 =	sadd.s32 @!p0 $0x280, s29;
	[sflag:s28] =	ssyncadd.s32 @!p0 $0xFFFFC000;
	s28 =	simm.s32 @!p0 $0x7400  }
0x3e: {  	[tilespmem:s28], [sflag:$0x2] =	stream.indirect.gather @!p0 [hbm4b:s1+s31], $0x80, s2, s31, $0xb8;
	[tilespmem:$0x13400] =	vst v63  }
0x3f: {  	_ =	swait.ge [sflag:s19], $0x4000  }
0x40: {  	[sflag:s19] =	ssyncset.done $0x0  }
.Ltmp2:
0x41: {  	[sflag:s19] =	ssyncadd.s32 $0xFFFFC000;
	(pc) =	sbr.rel @p0 .LBB2_4-.Ltmp2, $4  }
0x42: {  	[hbm4b:s22+s3] =	stream.linear.scatter [tilespmem:s17], [sflag:$0x5], $0x4000, $0x38;
	[tilespmem:$0x13400] =	vst v63  }
0x43: {  	_ =	swait.ge [sflag:s20], $0x4000  }
0x44: {  	[sflag:s20] =	ssyncset.done $0x0  }
0x45: {  	[sflag:s20] =	ssyncadd.s32 $0xFFFFC000  }
.Ltmp3:
0x46: {  	(pc) =	sbr.rel .LBB2_2-.Ltmp3, $4  }
0x47: {  	_ = 	snop  }
0x48: {  	s2 =	sadd.s32 $0x300, s26;
	s25 =	sadd.s32 $0x800, s25  }
0x49: {  	s24 =	sadd.s32 $0x2000, s24;
	s23 =	sadd.s32 $0x2000, s23;
	s22 =	sadd.s32 $0x2000, s22  }
0x4a: {  	[tilespmem:s15], [sflag:$0x3] =	stream.indirect.gather [hbm4b:s1+s11], $0x80, s2, s11, $0xb8;
	[tilespmem:$0x13400] =	vst v63  }
.LBB2_5:
0x4b: {  	_ =	sfence.sel $0x180000  }
0x4c: {  	[bflag:$0x0] =	sbarrier.arrive $0xFFFF  }
0x4d: {  	_ =	strace $0x90000047  }
0x4e: {  	[bflag:$0x2] =	sbarrier.arrive $0xFFFF  }
0x4f: {  	p0 =	sne.s32 s0, $0x0;
	s0 =	rddreg [dreg:$0x3]  }
0x50: {  	s0 =	sadd.s32 @!p0 $0x100000, s0  }
0x51: {  	[sflag:s0] =	ssyncadd.tile.s32 @!p0 $0x1;
	_ =	shalt  }
.Lfunc_end2:
_tile_overlayer_lowered:
.L_overlay_start_2:
0x52: {  	(tag) =	ssettag $0x2  }
0x53: {  	s0 =	rddreg [dreg:$0x0];
	s2 =	stileid.u32  }
0x54: {  	s1 =	rddreg [dreg:$0x1];
	p0 =	sne.s32 s2, $0x0  }
0x55: {  	s3 =	rddreg [dreg:$0x2];
	[bflag:$0x3] =	sbarrier.arrive $0xFFFF;
	s2 =	simm.s32 @!p0 $0x1C06  }
0x56: {  	[timem:s3], [sflag:s2] =	dma.local @!p0 [hbm:s0], s1  }
0x57: {  	s0 =	simm.s32 @!p0 $0x6  }
0x58: {  	_ =	swait.ge @!p0 [sflag:s0], s1  }
0x59: {  	s1 =	ssub.s32 @!p0 $0x0, s1;
	[sflag:s0] =	ssyncset.done @!p0 $0x0  }
0x5a: {  	[sflag:s0] =	ssyncadd.s32 @!p0 s1  }
0x5b: {  	[bflag:$0x3] =	sbarrier.arrive $0xFFFF  }
0x5c: {  	_ =	shalt  }

</sc_bundles>
